<compile_context>
chip_gen: v7x
topology: tpu7x:2x2x1
jax: 0.10.2.dev20260603
libtpu: 0.0.44.dev20260713+nightly
codegen_flags: <defaults>
</compile_context>

<pallas_src>
import functools

import jax
import jax.numpy as jnp
from jax import lax
from jax.experimental import pallas as pl
from jax.experimental.pallas import tpu as pltpu
from jax.experimental.pallas import tpu_sc as plsc

_TOP_K = 8
_BM = 1024
_NE = 64
_NT = 16384
_NC = 2
_NS = 16
_NW = _NC * _NS
_TPW = _NT // _NW
_GROUPS = _TPW // 16
_EUNROLL = 4


def _matmul_body(x_ref, w_ref, b_ref, o_ref):
    o_ref[...] = jnp.dot(
        x_ref[...], w_ref[...],
        preferred_element_type=jnp.float32) + b_ref[...]


def _tc_logits(x, W, b):
    n_tokens, d = x.shape
    n_exp = W.shape[1]
    b2 = b.reshape(1, n_exp)
    grid = (n_tokens // _BM,)
    return pl.pallas_call(
        _matmul_body,
        grid=grid,
        in_specs=[
            pl.BlockSpec((_BM, d), lambda i: (i, 0)),
            pl.BlockSpec((d, n_exp), lambda i: (0, 0)),
            pl.BlockSpec((1, n_exp), lambda i: (0, 0)),
        ],
        out_specs=pl.BlockSpec((_BM, n_exp), lambda i: (i, 0)),
        out_shape=jax.ShapeDtypeStruct((n_tokens, n_exp), jnp.float32),
    )(x, W, b2)


@functools.partial(
    pl.kernel,
    out_type=jax.ShapeDtypeStruct((_NT * _NE,), jnp.float32),
    mesh=plsc.VectorSubcoreMesh(core_axis_name="c", subcore_axis_name="s"),
    scratch_types=[
        pltpu.VMEM((_TPW * _NE,), jnp.float32),
        pltpu.VMEM((_TPW * _NE,), jnp.float32),
    ],
    compiler_params=pltpu.CompilerParams(needs_layout_passes=False),
)
def _sc_router(lg_hbm, out_hbm, lg_v, ot_v):
    wid = lax.axis_index("s") * _NC + lax.axis_index("c")
    base = wid * _TPW * _NE
    pltpu.sync_copy(lg_hbm.at[pl.ds(base, _TPW * _NE)], lg_v)

    neg_inf = jnp.float32(float("-inf"))

    def group_body(g, carry):
        rows = (g * 16 + lax.iota(jnp.int32, 16)) * _NE

        def top_body(it, h):
            h = list(h)
            for u in range(_EUNROLL):
                e = it * _EUNROLL + u
                v = plsc.load_gather(lg_v, [rows + e])
                for i in range(_TOP_K):
                    hi = jnp.maximum(h[i], v)
                    v = jnp.minimum(h[i], v)
                    h[i] = hi
            return tuple(h)

        h0 = tuple(jnp.full((16,), neg_inf, jnp.float32) for _ in range(_TOP_K))
        h = lax.fori_loop(0, _NE // _EUNROLL, top_body, h0)
        m = h[0]
        t = h[_TOP_K - 1]

        def exp_body(it, acc):
            for u in range(_EUNROLL):
                e = it * _EUNROLL + u
                idxs = rows + e
                v = plsc.load_gather(lg_v, [idxs])
                ex = jnp.where(v >= t, jnp.exp(v - m), jnp.float32(0.0))
                plsc.store_scatter(ot_v, [idxs], ex)
                acc = acc + ex
            return acc

        acc = lax.fori_loop(0, _NE // _EUNROLL, exp_body,
                            jnp.zeros((16,), jnp.float32))
        inv = jnp.float32(1.0) / acc

        def norm_body(it, c):
            for u in range(_EUNROLL):
                e = it * _EUNROLL + u
                idxs = rows + e
                v = plsc.load_gather(ot_v, [idxs])
                plsc.store_scatter(ot_v, [idxs], v * inv)
            return c

        lax.fori_loop(0, _NE // _EUNROLL, norm_body, 0)
        return carry

    lax.fori_loop(0, _GROUPS, group_body, 0)
    pltpu.sync_copy(ot_v, out_hbm.at[pl.ds(base, _TPW * _NE)])


def kernel(x, W, b):
    logits = _tc_logits(x, W, b)
    return _sc_router(logits.reshape(_NT * _NE)).reshape(_NT, _NE)

# --- scband reference (transcript-rebuilt; emitter-appended) ---
"""Pipeline reference for scband-gating-network-4707284156656 (READ-ONLY COPY).

The authoritative reference and input builder live on the scoring server;
editing this copy changes nothing except your own understanding.
"""

import jax, jax.numpy as jnp
import numpy as np

INPUT_DIM = 4096
NUM_EXPERTS = 64
TOP_K = 8
N_TOKENS = 16384


def setup_inputs(seed: int = 0) -> dict:
    key = jax.random.key(seed)
    k1, k2, k3 = jax.random.split(key, 3)
    x = jax.random.normal(k1, (N_TOKENS, INPUT_DIM), dtype=jnp.float32)
    # nn.Linear(input_dim, num_experts) parameters
    W = jax.random.normal(k2, (INPUT_DIM, NUM_EXPERTS), dtype=jnp.float32) * (1.0 / np.sqrt(INPUT_DIM))
    b = jax.random.uniform(k3, (NUM_EXPERTS,), dtype=jnp.float32, minval=-1.0 / np.sqrt(INPUT_DIM), maxval=1.0 / np.sqrt(INPUT_DIM))
    return {"x": x, "W": W, "b": b}


def reference(x, W, b):
    # logits = self.fc(x)
    logits = x @ W + b
    # topk_values, _ = torch.topk(logits, self.k, dim=-1)
    topk_values, _ = jax.lax.top_k(logits, TOP_K)
    # min_topk = topk_values[:, -1].unsqueeze(-1)
    min_topk = topk_values[:, -1:]
    # logits[logits < min_topk] = -inf
    masked_logits = jnp.where(logits < min_topk, -jnp.inf, logits)
    # softmax over experts
    return jax.nn.softmax(masked_logits, axis=-1)

if __name__ == "__main__":
    import jax
    _d = setup_inputs()
    print(jax.jit(kernel)(*tuple(_d.values())))

</pallas_src>

<mosaic_0001>
#map = affine_map<(d0, d1) -> (0)>
module attributes {stable_mosaic.version = 14 : i64} {
  func.func @_sc_router(%arg0: i32, %arg1: i32, %arg2: memref<1048576xf32, #tpu.memory_space<hbm>>, %arg3: memref<1048576xf32, #tpu.memory_space<hbm>>, %arg4: memref<32768xf32, #tpu.memory_space<vmem>>, %arg5: memref<32768xf32, #tpu.memory_space<vmem>>) attributes {dimension_semantics = [#tpu.dimension_semantics<core_parallel>, #tpu.dimension_semantics<subcore_parallel>], iteration_bounds = array<i64: 2, 16>, scalar_prefetch = 0 : i64, scratch_operands = 2 : i64, tpu.core_type = #tpu.core_type<sc_vector_subcore>, window_params = [{transform_indices = #map}, {transform_indices = #map}]} {
    %mul3A = arith.constant 2 : i32
    %mul3A_0 = arith.muli %arg1, %mul3A : i32
    %add3A = arith.addi %mul3A_0, %arg0 : i32
    %mul3A_1 = arith.constant 512 : i32
    %mul3A_2 = arith.muli %add3A, %mul3A_1 : i32
    %mul3A_3 = arith.constant 64 : i32
    %mul3A_4 = arith.muli %mul3A_2, %mul3A_3 : i32
    "tpu.region"() ({
      %run_scoped3A = tpu.sem_alloc : memref<!tpu.dma_semaphore, #tpu.memory_space<semaphore_mem>>
      %dma_start3A = tpu.memref_slice %arg2[%mul3A_4] : memref<1048576xf32, #tpu.memory_space<hbm>> -> memref<32768xf32, #tpu.memory_space<hbm>>
      %dma_start3A_11 = tpu.memref_slice %arg2[%mul3A_4] : memref<1048576xf32, #tpu.memory_space<hbm>> -> memref<32768xf32, #tpu.memory_space<hbm>>
      tpu.enqueue_dma source(%dma_start3A_11 : memref<32768xf32, #tpu.memory_space<hbm>>) target(%arg4 : memref<32768xf32, #tpu.memory_space<vmem>>) target_semaphore(%run_scoped3A : memref<!tpu.dma_semaphore, #tpu.memory_space<semaphore_mem>>)
      %dma_wait3A = tpu.memref_slice %arg2[%mul3A_4] : memref<1048576xf32, #tpu.memory_space<hbm>> -> memref<32768xf32, #tpu.memory_space<hbm>>
      %dma_wait3A_12 = tpu.memref_slice %arg2[%mul3A_4] : memref<1048576xf32, #tpu.memory_space<hbm>> -> memref<32768xf32, #tpu.memory_space<hbm>>
      tpu.wait_dma2 semaphore(%run_scoped3A : memref<!tpu.dma_semaphore, #tpu.memory_space<semaphore_mem>>) src(%dma_wait3A_12 : memref<32768xf32, #tpu.memory_space<hbm>>) dst(%arg4 : memref<32768xf32, #tpu.memory_space<vmem>>)
      tpu.yield
    }) : () -> ()
    %scan3A = arith.constant 0 : i32
    %scan3A_5 = arith.constant 0xFF800000 : f32
    %scan3A_6 = arith.constant 0 : i32
    %scan3A_7 = arith.constant 32 : i32
    %scan3A_8 = arith.addi %scan3A_6, %scan3A_7 : i32
    %scan3A_9 = arith.constant 1 : i32
    scf.for %scan3A_11 = %scan3A_6 to %scan3A_8 step %scan3A_9  : i32 {
      %mul3A_12 = arith.constant 16 : i32
      %mul3A_13 = arith.muli %scan3A_11, %mul3A_12 : i32
      %iota3A = tpu.iota {dimensions = array<i32: 0>} : vector<16xi32>
      %add3A_14 = vector.broadcast %mul3A_13 : i32 to vector<16xi32>
      %add3A_15 = arith.addi %add3A_14, %iota3A : vector<16xi32>
      %mul3A_16 = arith.constant 64 : i32
      %mul3A_17 = vector.broadcast %mul3A_16 : i32 to vector<16xi32>
      %mul3A_18 = arith.muli %add3A_15, %mul3A_17 : vector<16xi32>
      %broadcast_in_dim3A = vector.broadcast %scan3A_5 : f32 to vector<16xf32>
      %broadcast_in_dim3A_19 = vector.broadcast %scan3A_5 : f32 to vector<16xf32>
      %broadcast_in_dim3A_20 = vector.broadcast %scan3A_5 : f32 to vector<16xf32>
      %broadcast_in_dim3A_21 = vector.broadcast %scan3A_5 : f32 to vector<16xf32>
      %broadcast_in_dim3A_22 = vector.broadcast %scan3A_5 : f32 to vector<16xf32>
      %broadcast_in_dim3A_23 = vector.broadcast %scan3A_5 : f32 to vector<16xf32>
      %broadcast_in_dim3A_24 = vector.broadcast %scan3A_5 : f32 to vector<16xf32>
      %broadcast_in_dim3A_25 = vector.broadcast %scan3A_5 : f32 to vector<16xf32>
      %scan3A_26 = arith.constant 0 : i32
      %scan3A_27 = arith.constant 16 : i32
      %scan3A_28 = arith.addi %scan3A_26, %scan3A_27 : i32
      %scan3A_29 = arith.constant 1 : i32
      %scan3A_30:8 = scf.for %scan3A_48 = %scan3A_26 to %scan3A_28 step %scan3A_29 iter_args(%scan3A_49 = %broadcast_in_dim3A, %scan3A_50 = %broadcast_in_dim3A_19, %scan3A_51 = %broadcast_in_dim3A_20, %scan3A_52 = %broadcast_in_dim3A_21, %scan3A_53 = %broadcast_in_dim3A_22, %scan3A_54 = %broadcast_in_dim3A_23, %scan3A_55 = %broadcast_in_dim3A_24, %scan3A_56 = %broadcast_in_dim3A_25) -> (vector<16xf32>, vector<16xf32>, vector<16xf32>, vector<16xf32>, vector<16xf32>, vector<16xf32>, vector<16xf32>, vector<16xf32>)  : i32 {
        %mul3A_57 = arith.constant 4 : i32
        %mul3A_58 = arith.muli %scan3A_48, %mul3A_57 : i32
        %add3A_59 = arith.constant 0 : i32
        %add3A_60 = arith.addi %mul3A_58, %add3A_59 : i32
        %add3A_61 = vector.broadcast %add3A_60 : i32 to vector<16xi32>
        %add3A_62 = arith.addi %mul3A_18, %add3A_61 : vector<16xi32>
        %gather3A = tpu.vector_load_idx %arg4[%add3A_62] : memref<32768xf32, #tpu.memory_space<vmem>>[vector<16xi32>], vector<16xf32>,
        %max3A = arith.maximumf %scan3A_49, %gather3A : vector<16xf32>
        %min3A = arith.minimumf %scan3A_49, %gather3A : vector<16xf32>
        %max3A_63 = arith.maximumf %scan3A_50, %min3A : vector<16xf32>
        %min3A_64 = arith.minimumf %scan3A_50, %min3A : vector<16xf32>
        %max3A_65 = arith.maximumf %scan3A_51, %min3A_64 : vector<16xf32>
        %min3A_66 = arith.minimumf %scan3A_51, %min3A_64 : vector<16xf32>
        %max3A_67 = arith.maximumf %scan3A_52, %min3A_66 : vector<16xf32>
        %min3A_68 = arith.minimumf %scan3A_52, %min3A_66 : vector<16xf32>
        %max3A_69 = arith.maximumf %scan3A_53, %min3A_68 : vector<16xf32>
        %min3A_70 = arith.minimumf %scan3A_53, %min3A_68 : vector<16xf32>
        %max3A_71 = arith.maximumf %scan3A_54, %min3A_70 : vector<16xf32>
        %min3A_72 = arith.minimumf %scan3A_54, %min3A_70 : vector<16xf32>
        %max3A_73 = arith.maximumf %scan3A_55, %min3A_72 : vector<16xf32>
        %min3A_74 = arith.minimumf %scan3A_55, %min3A_72 : vector<16xf32>
        %max3A_75 = arith.maximumf %scan3A_56, %min3A_74 : vector<16xf32>
        %min3A_76 = arith.minimumf %scan3A_56, %min3A_74 : vector<16xf32>
        %mul3A_77 = arith.constant 4 : i32
        %mul3A_78 = arith.muli %scan3A_48, %mul3A_77 : i32
        %add3A_79 = arith.constant 1 : i32
        %add3A_80 = arith.addi %mul3A_78, %add3A_79 : i32
        %add3A_81 = vector.broadcast %add3A_80 : i32 to vector<16xi32>
        %add3A_82 = arith.addi %mul3A_18, %add3A_81 : vector<16xi32>
        %gather3A_83 = tpu.vector_load_idx %arg4[%add3A_82] : memref<32768xf32, #tpu.memory_space<vmem>>[vector<16xi32>], vector<16xf32>,
        %max3A_84 = arith.maximumf %max3A, %gather3A_83 : vector<16xf32>
        %min3A_85 = arith.minimumf %max3A, %gather3A_83 : vector<16xf32>
        %max3A_86 = arith.maximumf %max3A_63, %min3A_85 : vector<16xf32>
        %min3A_87 = arith.minimumf %max3A_63, %min3A_85 : vector<16xf32>
        %max3A_88 = arith.maximumf %max3A_65, %min3A_87 : vector<16xf32>
        %min3A_89 = arith.minimumf %max3A_65, %min3A_87 : vector<16xf32>
        %max3A_90 = arith.maximumf %max3A_67, %min3A_89 : vector<16xf32>
        %min3A_91 = arith.minimumf %max3A_67, %min3A_89 : vector<16xf32>
        %max3A_92 = arith.maximumf %max3A_69, %min3A_91 : vector<16xf32>
        %min3A_93 = arith.minimumf %max3A_69, %min3A_91 : vector<16xf32>
        %max3A_94 = arith.maximumf %max3A_71, %min3A_93 : vector<16xf32>
        %min3A_95 = arith.minimumf %max3A_71, %min3A_93 : vector<16xf32>
        %max3A_96 = arith.maximumf %max3A_73, %min3A_95 : vector<16xf32>
        %min3A_97 = arith.minimumf %max3A_73, %min3A_95 : vector<16xf32>
        %max3A_98 = arith.maximumf %max3A_75, %min3A_97 : vector<16xf32>
        %min3A_99 = arith.minimumf %max3A_75, %min3A_97 : vector<16xf32>
        %mul3A_100 = arith.constant 4 : i32
        %mul3A_101 = arith.muli %scan3A_48, %mul3A_100 : i32
        %add3A_102 = arith.constant 2 : i32
        %add3A_103 = arith.addi %mul3A_101, %add3A_102 : i32
        %add3A_104 = vector.broadcast %add3A_103 : i32 to vector<16xi32>
        %add3A_105 = arith.addi %mul3A_18, %add3A_104 : vector<16xi32>
        %gather3A_106 = tpu.vector_load_idx %arg4[%add3A_105] : memref<32768xf32, #tpu.memory_space<vmem>>[vector<16xi32>], vector<16xf32>,
        %max3A_107 = arith.maximumf %max3A_84, %gather3A_106 : vector<16xf32>
        %min3A_108 = arith.minimumf %max3A_84, %gather3A_106 : vector<16xf32>
        %max3A_109 = arith.maximumf %max3A_86, %min3A_108 : vector<16xf32>
        %min3A_110 = arith.minimumf %max3A_86, %min3A_108 : vector<16xf32>
        %max3A_111 = arith.maximumf %max3A_88, %min3A_110 : vector<16xf32>
        %min3A_112 = arith.minimumf %max3A_88, %min3A_110 : vector<16xf32>
        %max3A_113 = arith.maximumf %max3A_90, %min3A_112 : vector<16xf32>
        %min3A_114 = arith.minimumf %max3A_90, %min3A_112 : vector<16xf32>
        %max3A_115 = arith.maximumf %max3A_92, %min3A_114 : vector<16xf32>
        %min3A_116 = arith.minimumf %max3A_92, %min3A_114 : vector<16xf32>
        %max3A_117 = arith.maximumf %max3A_94, %min3A_116 : vector<16xf32>
        %min3A_118 = arith.minimumf %max3A_94, %min3A_116 : vector<16xf32>
        %max3A_119 = arith.maximumf %max3A_96, %min3A_118 : vector<16xf32>
        %min3A_120 = arith.minimumf %max3A_96, %min3A_118 : vector<16xf32>
        %max3A_121 = arith.maximumf %max3A_98, %min3A_120 : vector<16xf32>
        %min3A_122 = arith.minimumf %max3A_98, %min3A_120 : vector<16xf32>
        %mul3A_123 = arith.constant 4 : i32
        %mul3A_124 = arith.muli %scan3A_48, %mul3A_123 : i32
        %add3A_125 = arith.constant 3 : i32
        %add3A_126 = arith.addi %mul3A_124, %add3A_125 : i32
        %add3A_127 = vector.broadcast %add3A_126 : i32 to vector<16xi32>
        %add3A_128 = arith.addi %mul3A_18, %add3A_127 : vector<16xi32>
        %gather3A_129 = tpu.vector_load_idx %arg4[%add3A_128] : memref<32768xf32, #tpu.memory_space<vmem>>[vector<16xi32>], vector<16xf32>,
        %max3A_130 = arith.maximumf %max3A_107, %gather3A_129 : vector<16xf32>
        %min3A_131 = arith.minimumf %max3A_107, %gather3A_129 : vector<16xf32>
        %max3A_132 = arith.maximumf %max3A_109, %min3A_131 : vector<16xf32>
        %min3A_133 = arith.minimumf %max3A_109, %min3A_131 : vector<16xf32>
        %max3A_134 = arith.maximumf %max3A_111, %min3A_133 : vector<16xf32>
        %min3A_135 = arith.minimumf %max3A_111, %min3A_133 : vector<16xf32>
        %max3A_136 = arith.maximumf %max3A_113, %min3A_135 : vector<16xf32>
        %min3A_137 = arith.minimumf %max3A_113, %min3A_135 : vector<16xf32>
        %max3A_138 = arith.maximumf %max3A_115, %min3A_137 : vector<16xf32>
        %min3A_139 = arith.minimumf %max3A_115, %min3A_137 : vector<16xf32>
        %max3A_140 = arith.maximumf %max3A_117, %min3A_139 : vector<16xf32>
        %min3A_141 = arith.minimumf %max3A_117, %min3A_139 : vector<16xf32>
        %max3A_142 = arith.maximumf %max3A_119, %min3A_141 : vector<16xf32>
        %min3A_143 = arith.minimumf %max3A_119, %min3A_141 : vector<16xf32>
        %max3A_144 = arith.maximumf %max3A_121, %min3A_143 : vector<16xf32>
        %min3A_145 = arith.minimumf %max3A_121, %min3A_143 : vector<16xf32>
        scf.yield %max3A_130, %max3A_132, %max3A_134, %max3A_136, %max3A_138, %max3A_140, %max3A_142, %max3A_144 : vector<16xf32>, vector<16xf32>, vector<16xf32>, vector<16xf32>, vector<16xf32>, vector<16xf32>, vector<16xf32>, vector<16xf32>
      }
      %scan3A_31 = arith.constant 16 : i32
      %broadcast_in_dim3A_32 = arith.constant 0.000000e+00 : f32
      %broadcast_in_dim3A_33 = vector.broadcast %broadcast_in_dim3A_32 : f32 to vector<16xf32>
      %scan3A_34 = arith.constant 0 : i32
      %scan3A_35 = arith.constant 16 : i32
      %scan3A_36 = arith.addi %scan3A_34, %scan3A_35 : i32
      %scan3A_37 = arith.constant 1 : i32
      %scan3A_38 = scf.for %scan3A_48 = %scan3A_34 to %scan3A_36 step %scan3A_37 iter_args(%scan3A_49 = %broadcast_in_dim3A_33) -> (vector<16xf32>)  : i32 {
        %mul3A_50 = arith.constant 4 : i32
        %mul3A_51 = arith.muli %scan3A_48, %mul3A_50 : i32
        %add3A_52 = arith.constant 0 : i32
        %add3A_53 = arith.addi %mul3A_51, %add3A_52 : i32
        %add3A_54 = vector.broadcast %add3A_53 : i32 to vector<16xi32>
        %add3A_55 = arith.addi %mul3A_18, %add3A_54 : vector<16xi32>
        %gather3A = tpu.vector_load_idx %arg4[%add3A_55] : memref<32768xf32, #tpu.memory_space<vmem>>[vector<16xi32>], vector<16xf32>,
        %ge3A = arith.cmpf oge, %gather3A, %scan3A_30#7 : vector<16xf32>
        %sub3A = arith.subf %gather3A, %scan3A_30#0 : vector<16xf32>
        %exp3A = math.exp %sub3A : vector<16xf32>
        %jit3A = arith.constant 0.000000e+00 : f32
        %broadcast_in_dim3A_56 = vector.broadcast %jit3A : f32 to vector<16xf32>
        %select_n3A = arith.select %ge3A, %exp3A, %broadcast_in_dim3A_56 : vector<16xi1>, vector<16xf32>
        tpu.vector_store_idx %arg5[%add3A_55], %select_n3A : memref<32768xf32, #tpu.memory_space<vmem>>[vector<16xi32>], vector<16xf32>,
        %add3A_57 = arith.addf %scan3A_49, %select_n3A : vector<16xf32>
        %mul3A_58 = arith.constant 4 : i32
        %mul3A_59 = arith.muli %scan3A_48, %mul3A_58 : i32
        %add3A_60 = arith.constant 1 : i32
        %add3A_61 = arith.addi %mul3A_59, %add3A_60 : i32
        %add3A_62 = vector.broadcast %add3A_61 : i32 to vector<16xi32>
        %add3A_63 = arith.addi %mul3A_18, %add3A_62 : vector<16xi32>
        %gather3A_64 = tpu.vector_load_idx %arg4[%add3A_63] : memref<32768xf32, #tpu.memory_space<vmem>>[vector<16xi32>], vector<16xf32>,
        %ge3A_65 = arith.cmpf oge, %gather3A_64, %scan3A_30#7 : vector<16xf32>
        %sub3A_66 = arith.subf %gather3A_64, %scan3A_30#0 : vector<16xf32>
        %exp3A_67 = math.exp %sub3A_66 : vector<16xf32>
        %jit3A_68 = arith.constant 0.000000e+00 : f32
        %broadcast_in_dim3A_69 = vector.broadcast %jit3A_68 : f32 to vector<16xf32>
        %select_n3A_70 = arith.select %ge3A_65, %exp3A_67, %broadcast_in_dim3A_69 : vector<16xi1>, vector<16xf32>
        tpu.vector_store_idx %arg5[%add3A_63], %select_n3A_70 : memref<32768xf32, #tpu.memory_space<vmem>>[vector<16xi32>], vector<16xf32>,
        %add3A_71 = arith.addf %add3A_57, %select_n3A_70 : vector<16xf32>
        %mul3A_72 = arith.constant 4 : i32
        %mul3A_73 = arith.muli %scan3A_48, %mul3A_72 : i32
        %add3A_74 = arith.constant 2 : i32
        %add3A_75 = arith.addi %mul3A_73, %add3A_74 : i32
        %add3A_76 = vector.broadcast %add3A_75 : i32 to vector<16xi32>
        %add3A_77 = arith.addi %mul3A_18, %add3A_76 : vector<16xi32>
        %gather3A_78 = tpu.vector_load_idx %arg4[%add3A_77] : memref<32768xf32, #tpu.memory_space<vmem>>[vector<16xi32>], vector<16xf32>,
        %ge3A_79 = arith.cmpf oge, %gather3A_78, %scan3A_30#7 : vector<16xf32>
        %sub3A_80 = arith.subf %gather3A_78, %scan3A_30#0 : vector<16xf32>
        %exp3A_81 = math.exp %sub3A_80 : vector<16xf32>
        %jit3A_82 = arith.constant 0.000000e+00 : f32
        %broadcast_in_dim3A_83 = vector.broadcast %jit3A_82 : f32 to vector<16xf32>
        %select_n3A_84 = arith.select %ge3A_79, %exp3A_81, %broadcast_in_dim3A_83 : vector<16xi1>, vector<16xf32>
        tpu.vector_store_idx %arg5[%add3A_77], %select_n3A_84 : memref<32768xf32, #tpu.memory_space<vmem>>[vector<16xi32>], vector<16xf32>,
        %add3A_85 = arith.addf %add3A_71, %select_n3A_84 : vector<16xf32>
        %mul3A_86 = arith.constant 4 : i32
        %mul3A_87 = arith.muli %scan3A_48, %mul3A_86 : i32
        %add3A_88 = arith.constant 3 : i32
        %add3A_89 = arith.addi %mul3A_87, %add3A_88 : i32
        %add3A_90 = vector.broadcast %add3A_89 : i32 to vector<16xi32>
        %add3A_91 = arith.addi %mul3A_18, %add3A_90 : vector<16xi32>
        %gather3A_92 = tpu.vector_load_idx %arg4[%add3A_91] : memref<32768xf32, #tpu.memory_space<vmem>>[vector<16xi32>], vector<16xf32>,
        %ge3A_93 = arith.cmpf oge, %gather3A_92, %scan3A_30#7 : vector<16xf32>
        %sub3A_94 = arith.subf %gather3A_92, %scan3A_30#0 : vector<16xf32>
        %exp3A_95 = math.exp %sub3A_94 : vector<16xf32>
        %jit3A_96 = arith.constant 0.000000e+00 : f32
        %broadcast_in_dim3A_97 = vector.broadcast %jit3A_96 : f32 to vector<16xf32>
        %select_n3A_98 = arith.select %ge3A_93, %exp3A_95, %broadcast_in_dim3A_97 : vector<16xi1>, vector<16xf32>
        tpu.vector_store_idx %arg5[%add3A_91], %select_n3A_98 : memref<32768xf32, #tpu.memory_space<vmem>>[vector<16xi32>], vector<16xf32>,
        %add3A_99 = arith.addf %add3A_85, %select_n3A_98 : vector<16xf32>
        scf.yield %add3A_99 : vector<16xf32>
      }
      %scan3A_39 = arith.constant 16 : i32
      %div3A = arith.constant 1.000000e+00 : f32
      %div3A_40 = vector.broadcast %div3A : f32 to vector<16xf32>
      %div3A_41 = arith.divf %div3A_40, %scan3A_38 : vector<16xf32>
      %scan3A_42 = arith.constant 0 : i32
      %scan3A_43 = arith.constant 0 : i32
      %scan3A_44 = arith.constant 16 : i32
      %scan3A_45 = arith.addi %scan3A_43, %scan3A_44 : i32
      %scan3A_46 = arith.constant 1 : i32
      scf.for %scan3A_48 = %scan3A_43 to %scan3A_45 step %scan3A_46  : i32 {
        %mul3A_49 = arith.constant 4 : i32
        %mul3A_50 = arith.muli %scan3A_48, %mul3A_49 : i32
        %add3A_51 = arith.constant 0 : i32
        %add3A_52 = arith.addi %mul3A_50, %add3A_51 : i32
        %add3A_53 = vector.broadcast %add3A_52 : i32 to vector<16xi32>
        %add3A_54 = arith.addi %mul3A_18, %add3A_53 : vector<16xi32>
        %gather3A = tpu.vector_load_idx %arg5[%add3A_54] : memref<32768xf32, #tpu.memory_space<vmem>>[vector<16xi32>], vector<16xf32>,
        %mul3A_55 = arith.mulf %gather3A, %div3A_41 : vector<16xf32>
        tpu.vector_store_idx %arg5[%add3A_54], %mul3A_55 : memref<32768xf32, #tpu.memory_space<vmem>>[vector<16xi32>], vector<16xf32>,
        %mul3A_56 = arith.constant 4 : i32
        %mul3A_57 = arith.muli %scan3A_48, %mul3A_56 : i32
        %add3A_58 = arith.constant 1 : i32
        %add3A_59 = arith.addi %mul3A_57, %add3A_58 : i32
        %add3A_60 = vector.broadcast %add3A_59 : i32 to vector<16xi32>
        %add3A_61 = arith.addi %mul3A_18, %add3A_60 : vector<16xi32>
        %gather3A_62 = tpu.vector_load_idx %arg5[%add3A_61] : memref<32768xf32, #tpu.memory_space<vmem>>[vector<16xi32>], vector<16xf32>,
        %mul3A_63 = arith.mulf %gather3A_62, %div3A_41 : vector<16xf32>
        tpu.vector_store_idx %arg5[%add3A_61], %mul3A_63 : memref<32768xf32, #tpu.memory_space<vmem>>[vector<16xi32>], vector<16xf32>,
        %mul3A_64 = arith.constant 4 : i32
        %mul3A_65 = arith.muli %scan3A_48, %mul3A_64 : i32
        %add3A_66 = arith.constant 2 : i32
        %add3A_67 = arith.addi %mul3A_65, %add3A_66 : i32
        %add3A_68 = vector.broadcast %add3A_67 : i32 to vector<16xi32>
        %add3A_69 = arith.addi %mul3A_18, %add3A_68 : vector<16xi32>
        %gather3A_70 = tpu.vector_load_idx %arg5[%add3A_69] : memref<32768xf32, #tpu.memory_space<vmem>>[vector<16xi32>], vector<16xf32>,
        %mul3A_71 = arith.mulf %gather3A_70, %div3A_41 : vector<16xf32>
        tpu.vector_store_idx %arg5[%add3A_69], %mul3A_71 : memref<32768xf32, #tpu.memory_space<vmem>>[vector<16xi32>], vector<16xf32>,
        %mul3A_72 = arith.constant 4 : i32
        %mul3A_73 = arith.muli %scan3A_48, %mul3A_72 : i32
        %add3A_74 = arith.constant 3 : i32
        %add3A_75 = arith.addi %mul3A_73, %add3A_74 : i32
        %add3A_76 = vector.broadcast %add3A_75 : i32 to vector<16xi32>
        %add3A_77 = arith.addi %mul3A_18, %add3A_76 : vector<16xi32>
        %gather3A_78 = tpu.vector_load_idx %arg5[%add3A_77] : memref<32768xf32, #tpu.memory_space<vmem>>[vector<16xi32>], vector<16xf32>,
        %mul3A_79 = arith.mulf %gather3A_78, %div3A_41 : vector<16xf32>
        tpu.vector_store_idx %arg5[%add3A_77], %mul3A_79 : memref<32768xf32, #tpu.memory_space<vmem>>[vector<16xi32>], vector<16xf32>,
      }
      %scan3A_47 = arith.constant 16 : i32
    }
    %scan3A_10 = arith.constant 32 : i32
    "tpu.region"() ({
      %run_scoped3A = tpu.sem_alloc : memref<!tpu.dma_semaphore, #tpu.memory_space<semaphore_mem>>
      %dma_start3A = tpu.memref_slice %arg3[%mul3A_4] : memref<1048576xf32, #tpu.memory_space<hbm>> -> memref<32768xf32, #tpu.memory_space<hbm>>
      %dma_start3A_11 = tpu.memref_slice %arg3[%mul3A_4] : memref<1048576xf32, #tpu.memory_space<hbm>> -> memref<32768xf32, #tpu.memory_space<hbm>>
      tpu.enqueue_dma source(%arg5 : memref<32768xf32, #tpu.memory_space<vmem>>) target(%dma_start3A_11 : memref<32768xf32, #tpu.memory_space<hbm>>) target_semaphore(%run_scoped3A : memref<!tpu.dma_semaphore, #tpu.memory_space<semaphore_mem>>)
      %dma_wait3A = tpu.memref_slice %arg3[%mul3A_4] : memref<1048576xf32, #tpu.memory_space<hbm>> -> memref<32768xf32, #tpu.memory_space<hbm>>
      %dma_wait3A_12 = tpu.memref_slice %arg3[%mul3A_4] : memref<1048576xf32, #tpu.memory_space<hbm>> -> memref<32768xf32, #tpu.memory_space<hbm>>
      tpu.wait_dma2 semaphore(%run_scoped3A : memref<!tpu.dma_semaphore, #tpu.memory_space<semaphore_mem>>) src(%arg5 : memref<32768xf32, #tpu.memory_space<vmem>>) dst(%dma_wait3A_12 : memref<32768xf32, #tpu.memory_space<hbm>>)
      tpu.yield
    }) : () -> ()
    return
  }
}

module attributes {stable_mosaic.version = 14 : i64} {
  func.func @_matmul_body(%arg0: i32, %arg1: memref<1024x4096xf32, #tpu.memory_space<vmem>>, %arg2: memref<4096x64xf32, #tpu.memory_space<vmem>>, %arg3: memref<1x64xf32, #tpu.memory_space<vmem>>, %arg4: memref<1024x64xf32, #tpu.memory_space<vmem>>) attributes {dimension_semantics = [#tpu.dimension_semantics<arbitrary>], iteration_bounds = array<i64: 16>, scalar_prefetch = 0 : i64, scratch_operands = 0 : i64, tpu.core_type = #tpu.core_type<tc>, window_params = [{transform_indices = @transform_0, window_bounds = array<i64: 1024, 4096>}, {pipeline_mode = #tpu.pipeline_mode<synchronous>, transform_indices = @transform_1, window_bounds = array<i64: 4096, 64>}, {pipeline_mode = #tpu.pipeline_mode<synchronous>, transform_indices = @transform_2, window_bounds = array<i64: 1, 64>}, {transform_indices = @transform_3, window_bounds = array<i64: 1024, 64>}]} {
    %get3A = arith.constant 0 : index
    %get3A_0 = arith.constant 0 : index
    %get3A_1 = vector.load %arg1[%get3A, %get3A_0] : memref<1024x4096xf32, #tpu.memory_space<vmem>>, vector<1024x4096xf32>
    %get3A_2 = arith.constant 0 : index
    %get3A_3 = arith.constant 0 : index
    %get3A_4 = vector.load %arg2[%get3A_2, %get3A_3] : memref<4096x64xf32, #tpu.memory_space<vmem>>, vector<4096x64xf32>
    %dot_general3A = arith.constant dense<0.000000e+00> : vector<1024x64xf32>
    %dot_general3A_5 = tpu.matmul %get3A_1, %get3A_4, %dot_general3A {dimension_numbers = #tpu.dot_dimension_numbers<[1], [0], [0], [1], [0, 0, 1, 1], [], []>, transpose_lhs_hint = false} : vector<1024x4096xf32>, vector<4096x64xf32>, vector<1024x64xf32> -> vector<1024x64xf32>
    %get3A_6 = arith.constant 0 : index
    %get3A_7 = arith.constant 0 : index
    %get3A_8 = vector.load %arg3[%get3A_6, %get3A_7] : memref<1x64xf32, #tpu.memory_space<vmem>>, vector<1x64xf32>
    %add3A = vector.broadcast %get3A_8 : vector<1x64xf32> to vector<1024x64xf32>
    %add3A_9 = arith.addf %dot_general3A_5, %add3A : vector<1024x64xf32>
    %swap3A = arith.constant 0 : index
    %swap3A_10 = arith.constant 0 : index
    %swap3A_11 = vector.load %arg4[%swap3A, %swap3A_10] : memref<1024x64xf32, #tpu.memory_space<vmem>>, vector<1024x64xf32>
    tpu.vector_store %arg4[%swap3A, %swap3A_10], %add3A_9 {strides = array<i32>} : memref<1024x64xf32, #tpu.memory_space<vmem>>, vector<1024x64xf32>,
    return
  }
  func.func @transform_0(%arg0: i32) -> (i32, i32) {
    %c0_i32 = arith.constant 0 : i32
    %c0_i32_0 = arith.constant 0 : i32
    return %arg0, %c0_i32 : i32, i32
  }
  func.func @transform_1(%arg0: i32) -> (i32, i32) {
    %c0_i32 = arith.constant 0 : i32
    %c0_i32_0 = arith.constant 0 : i32
    %c0_i32_1 = arith.constant 0 : i32
    return %c0_i32, %c0_i32_0 : i32, i32
  }
  func.func @transform_2(%arg0: i32) -> (i32, i32) {
    %c0_i32 = arith.constant 0 : i32
    %c0_i32_0 = arith.constant 0 : i32
    %c0_i32_1 = arith.constant 0 : i32
    return %c0_i32, %c0_i32_0 : i32, i32
  }
  func.func @transform_3(%arg0: i32) -> (i32, i32) {
    %c0_i32 = arith.constant 0 : i32
    %c0_i32_0 = arith.constant 0 : i32
    return %arg0, %c0_i32 : i32, i32
  }
}

</mosaic_0001>

<sc_bundles>
// kernel: kernel.4.cloned.1.call-start
scs
__scs_entry_jumppad:
0x0: {  	(pc) =	sbr.rel $0x88, $3  }
0x1: {  	(tag) =	ssettag $0x0;
	lr =	simm.s32 $0x1  }
0x2: {  	[smem:$0x3F9E] =	sst lr;
	_ =	strace $0xD0000000  }
0x3: {  	_ = 	snop  }
0x4: {  	_ = 	snop  }
0x5: {  	_ = 	snop  }
0x6: {  	_ = 	snop  }
0x7: {  	_ = 	snop  }
__scs_overlays_trampoline_lowered:
0x8: {  	[smem:$0x3FAD] =	sst s0  }
0x9: {  	[smem:$0x3FAE] =	sst s1  }
0xa: {  	[smem:$0x3FAF] =	sst s2  }
0xb: {  	[smem:$0x3FB0] =	sst s3  }
0xc: {  	[smem:$0x3FB1] =	sst s4  }
0xd: {  	[smem:$0x3FB2] =	sst s5  }
0xe: {  	[smem:$0x3FB3] =	sst s6  }
0xf: {  	[smem:$0x3FB4] =	sst s7  }
0x10: {  	[smem:$0x3FB5] =	sst s8  }
0x11: {  	[smem:$0x3FB6] =	sst s9;
	s0 =	simm.s32 @!p0 $0x0  }
0x12: {  	s1 =	sld [smem:$0x3F9C];
	s0 =	simm.s32 @p0 $0x1  }
0x13: {  	[smem:$0x3FB7] =	sst s0;
	s0 =	simm.s32 @!p1 $0x0  }
0x14: {  	s2 =	sld [smem:$0x3F9B];
	s0 =	simm.s32 @p1 $0x1  }
0x15: {  	[smem:$0x3FB8] =	sst s0;
	s0 =	simm.s32 @!p2 $0x0  }
0x16: {  	s3 =	sld [smem:$0x3FDB];
	s0 =	simm.s32 @p2 $0x1  }
0x17: {  	s4 =	simm.s32 $0x1BF5;
	[smem:$0x3FBA] =	sst s0  }
0x18: {  	s0 =	sld [smem:$0x3F9D];
	_ =	swait.ge [sflag:s4], $0x0  }
0x19: {  	s7 =	sld [smem:$0x3F9E]  }
0x1a: {  	s8 =	sadd.s32 $0xFFFFE003, lr  }
0x1b: {  	s9 =	sadd.s32 $0xFFFFFEF7, lr;
	s5 =	simm.s32 $0xFFFFFFFF;
	p2 =	slt.u32 s8, $0xFFFFF086  }
0x1c: {  	p1 =	slt.u32 s9, $0xF7A;
	s5 =	simm.s32 @!p2 $0x0  }
0x1d: {  	s5 =	simm.s32 @p1 $0x1;
	p0 =	seq.s32 s7, s2  }
0x1e: {  	s7 =	smul.u32 @!p0 $0xF7A, s2;
	p2 =	seq.s32 @!p0 s5, $0x0  }
0x1f: {  	s9 =	smul.u32 $0xF7A, s1;
	s8 =	simm.s32 @!p0 $0x1BF5;
	p2 =	por !p2, p0  }
0x20: {  	[sflag:s8] =	ssyncset.s32 @!p0 $0xFFFFF086;
	s6 =	sadd.s32 @!p0 s3, s7;
	s7 =	simm.s32 @!p0 $0x108  }
0x21: {  	s3 =	sadd.s32 s3, s9;
	s6 =	sadd.s32 @!p0 $0x88, s6;
	s7 =	simm.s32 @p2 $0x1082  }
0x22: {  	[simem:s7], [sflag:s8] =	dma.local @!p0 [hbm:s6], $0xF7A  }
0x23: {  	s9 =	sor.u32 $0xD0000000, s2;
	s6 =	simm.s32 $0x108;
	_ =	swait.ge @!p0 [sflag:s8], $0x0  }
0x24: {  	s3 =	sadd.s32 $0x88, s3;
	s6 =	simm.s32 @!p1 $0x1082;
	[sflag:s4] =	ssyncset.s32 $0xFFFFF086  }
0x25: {  	[simem:s6], [sflag:s4] =	dma.local [hbm:s3], $0xF7A  }
0x26: {  	[smem:$0x3F9E] =	sst s1;
	(tag) =	ssettag s2;
	_ =	strace s9  }
0x27: {  	s1 =	sld [smem:$0x3FAE]  }
0x28: {  	s2 =	sld [smem:$0x3FAF]  }
0x29: {  	s4 =	sld [smem:$0x3FB1]  }
0x2a: {  	p0 =	seq.s32 s5, $0x0;
	s5 =	sld [smem:$0x3FB2]  }
0x2b: {  	s6 =	sld [smem:$0x3FB3]  }
0x2c: {  	s7 =	sld [smem:$0x3FB4]  }
0x2d: {  	s3 =	simm.s32 $0x108;
	s8 =	sld [smem:$0x3FB5]  }
0x2e: {  	s3 =	simm.s32 @!p0 $0x1082;
	s9 =	sld [smem:$0x3FB6]  }
0x2f: {  	lr =	sadd.s32 s0, s3;
	s0 =	sld [smem:$0x3FAD]  }
0x30: {  	s3 =	sld [smem:$0x3FB0]  }
0x31: {  	[smem:$0x3FB9] =	sst s10  }
0x32: {  	s10 =	sld [smem:$0x3FB7];
	_ =	sdelay $0x3  }
0x33: {  	p0 =	seq.s32 s10, $0x1;
	s10 =	sld [smem:$0x3FB9];
	_ =	sdelay $0x3  }
0x34: {  	[smem:$0x3FB9] =	sst s10  }
0x35: {  	s10 =	sld [smem:$0x3FB8];
	_ =	sdelay $0x3  }
0x36: {  	p1 =	seq.s32 s10, $0x1;
	s10 =	sld [smem:$0x3FB9];
	_ =	sdelay $0x3  }
0x37: {  	[smem:$0x3FB9] =	sst s10  }
0x38: {  	s10 =	sld [smem:$0x3FBA]  }
0x39: {  	_ = 	snop;
	(pc) =	sbr.ind lr, $3  }
0x3a: {  	_ = 	snop  }
0x3b: {  	_ = 	snop  }
0x3c: {  	p2 =	seq.s32 s10, $0x1;
	s10 =	sld [smem:$0x3FB9]  }
0x3d: {  	_ =	shalt  }
0x3e: {  	_ =	shalt  }
0x3f: {  	_ =	shalt  }
0x40: {  	_ =	shalt  }
0x41: {  	_ =	shalt  }
0x42: {  	_ =	shalt  }
0x43: {  	_ =	shalt  }
0x44: {  	_ =	shalt  }
0x45: {  	_ =	shalt  }
0x46: {  	_ =	shalt  }
0x47: {  	_ =	shalt  }
0x48: {  	_ =	shalt  }
0x49: {  	_ =	shalt  }
0x4a: {  	_ =	shalt  }
0x4b: {  	_ =	shalt  }
0x4c: {  	_ =	shalt  }
0x4d: {  	_ =	shalt  }
0x4e: {  	_ =	shalt  }
0x4f: {  	_ =	shalt  }
0x50: {  	_ =	shalt  }
0x51: {  	_ =	shalt  }
0x52: {  	_ =	shalt  }
0x53: {  	_ =	shalt  }
0x54: {  	_ =	shalt  }
0x55: {  	_ =	shalt  }
0x56: {  	_ =	shalt  }
0x57: {  	_ =	shalt  }
0x58: {  	_ =	shalt  }
0x59: {  	_ =	shalt  }
0x5a: {  	_ =	shalt  }
0x5b: {  	_ =	shalt  }
0x5c: {  	_ =	shalt  }
0x5d: {  	_ =	shalt  }
0x5e: {  	_ =	shalt  }
0x5f: {  	_ =	shalt  }
0x60: {  	_ =	shalt  }
0x61: {  	_ =	shalt  }
0x62: {  	_ =	shalt  }
0x63: {  	_ =	shalt  }
0x64: {  	_ =	shalt  }
0x65: {  	_ =	shalt  }
0x66: {  	_ =	shalt  }
0x67: {  	_ =	shalt  }
0x68: {  	_ =	shalt  }
0x69: {  	_ =	shalt  }
0x6a: {  	_ =	shalt  }
0x6b: {  	_ =	shalt  }
0x6c: {  	_ =	shalt  }
0x6d: {  	_ =	shalt  }
0x6e: {  	_ =	shalt  }
0x6f: {  	_ =	shalt  }
0x70: {  	_ =	shalt  }
0x71: {  	_ =	shalt  }
0x72: {  	_ =	shalt  }
0x73: {  	_ =	shalt  }
0x74: {  	_ =	shalt  }
0x75: {  	_ =	shalt  }
0x76: {  	_ =	shalt  }
0x77: {  	_ =	shalt  }
0x78: {  	_ =	shalt  }
0x79: {  	_ =	shalt  }
0x7a: {  	_ =	shalt  }
0x7b: {  	_ =	shalt  }
0x7c: {  	_ =	shalt  }
0x7d: {  	_ =	shalt  }
0x7e: {  	_ =	shalt  }
0x7f: {  	_ =	shalt  }
0x80: {  	_ =	shalt  }
0x81: {  	_ =	shalt  }
0x82: {  	_ =	shalt  }
0x83: {  	_ =	shalt  }
0x84: {  	_ =	shalt  }
0x85: {  	_ =	shalt  }
0x86: {  	_ =	shalt  }
0x87: {  	_ =	shalt  }
.Lfunc_end0:
.L_simem_size_0:
called_computation_lowered:
.L_overlay_start_0:
0x88: {  	s2 =	sld [smem:$0x3FD9]  }
0x89: {  	s3 =	sld [smem:$0x3FFE];
	_ =	sdelay $0x1  }
0x8a: {  	s1 =	srdreg.scid  }
0x8b: {  	s0 =	sand.u32 $0x1, s1  }
0x8c: {  	s17 =	sshll.u32 s0, $0xA;
	s2 =	sadd.s32 s3, s2  }
0x8d: {  	s2 =	sadd.s32 s2, s17  }
0x8e: {  	[smem:$0x3FC5] =	sst s2  }
0x8f: {  	_ = 	snop  }
0x90: {  	s2 =	sld [smem:$0x3FD0];
	(tm) =	ssettm $0x1  }
0x91: {  	s18 =	sld [smem:$0x3FFB];
	_ =	sdelay $0x3  }
0x92: {  	_ =	strace s18  }
0x93: {  	s3 =	sld [smem:$0x3FFC];
	_ =	sdelay $0x3  }
0x94: {  	_ =	strace s3  }
0x95: {  	s3 =	sld [smem:$0x3FFD];
	_ =	sdelay $0x3  }
0x96: {  	_ =	strace s3  }
0x97: {  	_ =	strace $0x8FFFFFFF  }
0x98: {  	s19 =	sld [smem:$0x3FDB];
	_ =	sdelay $0x1  }
0x99: {  	s4 =	simm.s32 $_scs_section_size  }
0x9a: {  	s5 =	simm.s32 $_size__tile_overlayer_lowered;
	s6 =	simm.s32 $_tile_overlayer_lowered  }
0x9b: {  	s22 =	simm.s32 $0x1BFF;
	s21 =	sshll.u32 s6, $0x1;
	s3 =	sadd.s32 s4, s19  }
0x9c: {  	s7 =	simm.s32 $0x0;
	s20 =	sshll.u32 s5, $0x1;
	s5 =	sadd.s32 s21, s3  }
0x9d: {  	[timem:s7], [sflag:s22] =	dma.local [hbm:s5], s20  }
0x9e: {  	_ =	swait.ge [sflag:s22], s20  }
0x9f: {  	s4 =	ssub.s32 $0x0, s20;
	[sflag:s22] =	ssyncset.done $0x0  }
0xa0: {  	[sflag:s22] =	ssyncadd.s32 s4;
	_ =	sdelay $0x1  }
0xa1: {  	s23 =	simm.s32 $0x1B8B  }
0xa2: {  	_ =	swait.ge [sflag:s23], $0x1  }
0xa3: {  	[sflag:s23] =	ssyncset.done $0x0  }
0xa4: {  	s25 =	simm.s32 $0x1B8E;
	s24 =	sld [smem:$0x3FFE];
	[sflag:s23] =	ssyncadd.s32 $0xFFFFFFFF  }
0xa5: {  	s26 =	simm.s32 $execute0_lowered;
	[smem:$0x3FD2] =	sst s25  }
0xa6: {  	s5 =	sshll.u32 s26, $0x1;
	_ =	strace $0x80000046;
	[dreg:$0x1] =	wrdreg $0xFFFFFFFF  }
0xa7: {  	s28 =	simm.s32 $_size_execute0_lowered;
	s3 =	sadd.s32 s3, s5;
	[dreg:$0x0] =	wrdreg $0x0  }
0xa8: {  	s5 =	sshll.u32 s28, $0x1;
	[dreg:$0x2] =	wrdreg s3  }
0xa9: {  	[dreg:$0x3] =	wrdreg s5  }
0xaa: {  	[dreg:$0x4] =	wrdreg $0xC0  }
0xab: {  	_ =	task [dreg:s7], $0x5FFFF  }
0xac: {  	[dreg:$0x1] =	wrdreg $0xFFFFFFFF  }
0xad: {  	[dreg:$0x0] =	wrdreg $0x60  }
0xae: {  	[dreg:$0x2] =	wrdreg s2  }
0xaf: {  	[dreg:$0x3] =	wrdreg s24  }
0xb0: {  	[dreg:$0x4] =	wrdreg $0x9  }
0xb1: {  	_ =	task.clear_ibuf [dreg:s7], $0x5FFFF;
	_ =	strace $0x90000046  }
0xb2: {  	s29 =	simm.s32 $0x9;
	_ =	strace $0x80000048  }
0xb3: {  	_ =	swait.ge [sflag:s29], $0x1  }
0xb4: {  	[sflag:s29] =	ssyncadd.s32 $0xFFFFFFFF  }
0xb5: {  	_ =	strace $0x90000048  }
0xb6: {  	_ =	sfence  }
0xb7: {  	s30 =	sld [smem:$0x0];
	_ =	sdelay $0x2  }
0xb8: {  	s31 =	sshll.u32 s1, $0xD;
	s1 =	sshrl.u32 s1, $0x2  }
0xb9: {  	s3 =	sand.u32 $0x4000, s31;
	s1 =	sadd.s32 s1, s30  }
0xba: {  	s0 =	sor.u32 s3, s0;
	s1 =	sshll.u32 s1, $0x11  }
0xbb: {  	s0 =	sor.u32 s1, s0  }
0xbc: {  	s0 =	sadd.s32 $0x8F2B, s0  }
0xbd: {  	[sflag:s0] =	ssyncadd.remote.s32 $0x1  }
0xbe: {  	_ =	sfence.sel $0xFFFF  }
0xbf: {  	[dreg:$0x0] =	wrdreg $0xFFFFFFFF;
	(pc) =	sbr.abs _section_cstart, $3  }
0xc0: {  	[dreg:$0x1] =	wrdreg $0xFFFFFFFF  }
0xc1: {  	_ =	task.clear_ibuf [dreg:s7], $0x2FFFF;
	_ =	strace $0x9FFFFFFF  }
0xc2: {  	(tm) =	ssettm $0x7FFFFFFF  }
0xc3: {  	_ =	shalt  }
tec
execute0_lowered:
.L_overlay_start_1:
0x0: {  	(tag) =	ssettag $0x1  }
0x1: {  	s3 =	rddreg [dreg:$0x0]  }
0x2: {  	s4 =	rddreg [dreg:$0x1]  }
0x3: {  	s0 =	rddreg [dreg:$0x2];
	s5 =	srdreg.scid  }
0x4: {  	s2 =	simm.s32 $0x0;
	s1 =	stileid.u32;
	s8 =	simm.s32 $0x0  }
0x5: {  	s5 =	sand.u32 $0x1, s5;
	s6 =	sshll.u32 s1, $0xD;
	[smem:$0x7FF] =	sst s2  }
0x6: {  	s7 =	sshll.u32 s5, $0xC;
	s5 =	ssub.s32 $0x2, s5;
	_ =	strace $0x80000047  }
0x7: {  	s6 =	sor.u32 s7, s6;
	s31 =	sshrl.u32 s5, $0x1;
	s7 =	simm.s32 $0x8000  }
0x8: {  	v0 =	vlaneseq.u32;
	s4 =	sadd.s32 s6, s4;
	s5 =	ssub.s32 s5, s31;
	s3 =	sadd.s32 s3, s6  }
0x9: {  	v0 =	vmul.u32 $0x40, v0;
	s6 =	simm.s32 $0x1;
	s4 =	sadd.s32 $0x600, s4;
	s5 =	smax.u32 s5, $0x1  }
.LBB2_1:
0xa: {  	[tilespmem:s2], [sflag:$0x1] =	stream.linear.gather [hbm4b:s3+s2], $0x8000, $0x38;
	[tilespmem:$0x10000] =	vst v63  }
0xb: {  	_ =	swait.ge [sflag:s6], $0x8000  }
0xc: {  	[sflag:s6] =	ssyncset.done $0x0  }
0xd: {  	s9 =	simm.s32 $0x0;
	[sflag:s6] =	ssyncadd.s32 $0xFFFF8000  }
.LBB2_2:
0xe: {  	s10 =	sshll.u32 s9, $0x4  }
0xf: {  	v1 =	vmov s10  }
0x10: {  	v1 =	vshll.u32 v1, $0x6  }
0x11: {  	s10 =	simm.s32 $0x0;
	v1 =	vor.u32 v0, v1  }
0x12: {  	v2 =	vor.u32 s10, v1  }
0x13: {  	s11 =	simm.s32 $0x1  }
0x14: {  	s12 =	simm.s32 $0x2;
	v3 =	vor.u32 s11, v1  }
0x15: {  	v4 =	vor.u32 s12, v1  }
0x16: {  	s31 =	simm.s32 $0x3  }
0x17: {  	v6 =	vor.u32 s31, v1;
	v2 =	vld.idx.msk [tilespmem:v2+s10+$0x0], $0xffff;
	_ =	sdelay $0x1  }
0x18: {  	v3 =	vld.idx.msk [tilespmem:v3+s10+$0x0], $0xffff  }
0x19: {  	v4 =	vld.idx.msk [tilespmem:v4+s10+$0x0], $0xffff  }
0x1a: {  	v5 =	vimm.f32 $-Inf  }
0x1b: {  	v6 =	vld.idx.msk [tilespmem:v6+s10+$0x0], $0xffff;
	v7 =	vmin.f32 v5, v2  }
0x1c: {  	v2 =	vmax.f32 v5, v2;
	v8 =	vmin.f32 v5, v7  }
0x1d: {  	v7 =	vmax.f32 v5, v7;
	v9 =	vmax.f32 v2, v3;
	v2 =	vmin.f32 v2, v3  }
0x1e: {  	v10 =	vmax.f32 v5, v8;
	v11 =	vmin.f32 v9, v4;
	v3 =	vmin.f32 v5, v8  }
0x1f: {  	v12 =	vmax.f32 v7, v2;
	v13 =	vmax.f32 v9, v4;
	v7 =	vmin.f32 v7, v2  }
0x20: {  	v4 =	vmin.f32 v5, v3;
	v14 =	vmax.f32 v5, v3;
	v3 =	vmin.f32 v13, v6  }
0x21: {  	v15 =	vmin.f32 v12, v11;
	v2 =	vmax.f32 v13, v6;
	v6 =	vmax.f32 v10, v7  }
0x22: {  	v9 =	vmax.f32 v5, v4;
	v8 =	vmin.f32 v5, v4;
	v4 =	vmax.f32 v12, v11  }
0x23: {  	v12 =	vmin.f32 v10, v7;
	v11 =	vmin.f32 v6, v15;
	v13 =	vmin.f32 v5, v8  }
0x24: {  	v10 =	vmax.f32 v14, v12;
	v14 =	vmin.f32 v14, v12;
	v7 =	vmin.f32 v5, v13  }
0x25: {  	s11 =	simm.s32 $0x4;
	v12 =	vmax.f32 v6, v15;
	v6 =	vimm.f32 $-Inf;
	v7 =	vmax.f32 v5, v7  }
.LBB2_3:
0x26: {  	s12 =	sadd.s32 $0x1, s11;
	s13 =	sadd.s32 $0x2, s11;
	s14 =	sadd.s32 $0x3, s11;
	v5 =	vmax.f32 v5, v13;
	v13 =	vmax.f32 v9, v14;
	v9 =	vmin.f32 v9, v14  }
0x27: {  	v14 =	vor.u32 s11, v1;
	p0 =	sne.s32 s11, $0x3C;
	s11 =	sadd.s32 $0x4, s11;
	v16 =	vmin.f32 v4, v3;
	v15 =	vor.u32 s12, v1  }
0x28: {  	v17 =	vor.u32 s13, v1;
	v18 =	vor.u32 s14, v1;
	v19 =	vmax.f32 v12, v16  }
0x29: {  	v6 =	vmax.f32 v6, v8;
	v8 =	vmax.f32 v10, v11;
	v10 =	vmin.f32 v10, v11  }
0x2a: {  	v11 =	vmin.f32 v6, v9;
	v20 =	vmax.f32 v13, v10;
	v12 =	vmin.f32 v12, v16  }
0x2b: {  	v10 =	vmin.f32 v13, v10;
	v16 =	vmax.f32 v5, v11;
	v5 =	vmin.f32 v5, v11  }
0x2c: {  	v6 =	vmax.f32 v6, v9;
	v5 =	vmax.f32 v7, v5;
	v7 =	vmin.f32 v8, v12;
	v11 =	vld.idx.msk [tilespmem:v14+s10+$0x0], $0xffff  }
0x2d: {  	v13 =	vmax.f32 v6, v10;
	v14 =	vmax.f32 v20, v7;
	v7 =	vmin.f32 v20, v7;
	v9 =	vld.idx.msk [tilespmem:v15+s10+$0x0], $0xffff  }
0x2e: {  	v10 =	vmin.f32 v6, v10;
	v6 =	vmax.f32 v13, v7;
	v7 =	vmin.f32 v13, v7;
	v15 =	vld.idx.msk [tilespmem:v17+s10+$0x0], $0xffff  }
0x2f: {  	v3 =	vmax.f32 v4, v3;
	v13 =	vmax.f32 v16, v10;
	v10 =	vmin.f32 v16, v10  }
0x30: {  	v8 =	vmax.f32 v8, v12;
	v4 =	vmax.f32 v5, v10;
	v10 =	vmin.f32 v13, v7;
	v16 =	vld.idx.msk [tilespmem:v18+s10+$0x0], $0xffff  }
0x31: {  	v5 =	vmax.f32 v13, v7;
	v7 =	vmax.f32 v4, v10  }
0x32: {  	v4 =	vmax.f32 v2, v11;
	v2 =	vmin.f32 v2, v11  }
0x33: {  	v10 =	vmax.f32 v3, v2;
	v2 =	vmin.f32 v3, v2;
	v3 =	vmax.f32 v4, v9  }
0x34: {  	v4 =	vmin.f32 v4, v9;
	v11 =	vmax.f32 v19, v2;
	v12 =	vmin.f32 v3, v15  }
0x35: {  	v2 =	vmin.f32 v19, v2;
	v13 =	vmax.f32 v10, v4;
	v15 =	vmax.f32 v3, v15  }
0x36: {  	v17 =	vmax.f32 v8, v2;
	v2 =	vmin.f32 v8, v2;
	v3 =	vmin.f32 v15, v16  }
.Ltmp0:
0x37: {  	v10 =	vmin.f32 v10, v4;
	v18 =	vmin.f32 v13, v12;
	v9 =	vmax.f32 v14, v2;
	(pc) =	sbr.rel @p0 .LBB2_3-.Ltmp0, $4  }
0x38: {  	v4 =	vmax.f32 v13, v12;
	v8 =	vmin.f32 v14, v2;
	v2 =	vmax.f32 v15, v16  }
0x39: {  	v12 =	vmax.f32 v11, v10;
	v14 =	vmin.f32 v11, v10;
	v13 =	vmin.f32 v6, v8  }
0x3a: {  	v11 =	vmin.f32 v12, v18;
	v10 =	vmax.f32 v17, v14;
	v15 =	vmin.f32 v5, v13  }
0x3b: {  	v12 =	vmax.f32 v12, v18;
	v14 =	vmin.f32 v17, v14;
	v7 =	vmax.f32 v7, v15  }
0x3c: {  	v15 =	vor.u32 s10, v1;
	_ =	sdelay $0x4  }
0x3d: {  	v16 =	vld.idx.msk [tilespmem:v15+s2+$0x0], $0xffff;
	_ =	sdelay $0x4  }
0x3e: {  	v17 =	vsub.f32 v16, v2;
	_ =	sdelay $0x1  }
0x3f: {  	v5 =	vmax.f32 v5, v13;
	v58 =	vmax.f32 v9, v14;
	v17 =	vmul.f32 $1.442695020e+00, v17  }
0x40: {  	v59 =	vmin.f32 v9, v14;
	v6 =	vmax.f32 v6, v8;
	v3 =	vmin.f32 v4, v3  }
0x41: {  	v4 =	vmax.f32 v10, v11;
	v60 =	vmin.f32 v10, v11;
	(erf) = vpow2.f32 v17  }
0x42: {  	v8 =	vmin.f32 v6, v59;
	v3 =	vmin.f32 v12, v3;
	v10 =	vmin.f32 v58, v60  }
0x43: {  	v6 =	vmax.f32 v6, v59;
	v61 =	vmax.f32 v5, v8;
	v5 =	vmin.f32 v5, v8  }
0x44: {  	v8 =	vmax.f32 v58, v60;
	v3 =	vmin.f32 v4, v3;
	v4 =	vmax.f32 v6, v10  }
0x45: {  	v6 =	vmin.f32 v6, v10;
	v5 =	vmax.f32 v7, v5;
	v3 =	vmin.f32 v8, v3  }
0x46: {  	v3 =	vmin.f32 v4, v3;
	v4 =	vmax.f32 v61, v6;
	v6 =	vmin.f32 v61, v6  }
0x47: {  	s29 =	simm.s32 $0x1;
	v5 =	vmax.f32 v5, v6  }
0x48: {  	v3 =	vmin.f32 v4, v3;
	v4 =	vor.u32 s29, v1  }
0x49: {  	v3 =	vmax.f32 v5, v3  }
0x4a: {  	vm0 =	vge.f32 v16, v3;
	v5 =	vpop (erf)  }
0x4b: {  	v5 =	vnsel vm0, $0x0, v5  }
0x4c: {  	[tilespmem:v15+s7+$0x0] =	vst.idx.msk $0xffff, v5  }
0x4d: {  	v6 =	vld.idx.msk [tilespmem:v4+s2+$0x0], $0xffff;
	_ =	sdelay $0x4  }
0x4e: {  	v7 =	vsub.f32 v6, v2;
	_ =	sdelay $0x1  }
0x4f: {  	v7 =	vmul.f32 $1.442695020e+00, v7;
	_ =	sdelay $0x1  }
0x50: {  	(erf) = vpow2.f32 v7;
	_ =	sdelay $0x5  }
0x51: {  	s30 =	simm.s32 $0x2  }
0x52: {  	v7 =	vor.u32 s30, v1;
	_ =	sdelay $0x1  }
0x53: {  	vm13 =	vge.f32 v6, v3;
	v6 =	vpop (erf)  }
0x54: {  	v6 =	vnsel vm13, $0x0, v6  }
0x55: {  	[tilespmem:v4+s7+$0x0] =	vst.idx.msk $0xffff, v6  }
0x56: {  	v8 =	vld.idx.msk [tilespmem:v7+s2+$0x0], $0xffff;
	_ =	sdelay $0x4  }
0x57: {  	v4 =	vsub.f32 v8, v2;
	_ =	sdelay $0x1  }
0x58: {  	v4 =	vmul.f32 $1.442695020e+00, v4;
	_ =	sdelay $0x1  }
0x59: {  	(erf) = vpow2.f32 v4;
	_ =	sdelay $0x5  }
0x5a: {  	s31 =	simm.s32 $0x3  }
0x5b: {  	v4 =	vor.u32 s31, v1;
	_ =	sdelay $0x1  }
0x5c: {  	vm14 =	vge.f32 v8, v3;
	v8 =	vpop (erf)  }
0x5d: {  	v8 =	vnsel vm14, $0x0, v8  }
0x5e: {  	[tilespmem:v7+s7+$0x0] =	vst.idx.msk $0xffff, v8  }
0x5f: {  	v7 =	vld.idx.msk [tilespmem:v4+s2+$0x0], $0xffff;
	_ =	sdelay $0x4  }
0x60: {  	v62 =	vsub.f32 v7, v2;
	_ =	sdelay $0x1  }
0x61: {  	v9 =	vmul.f32 $1.442695020e+00, v62;
	_ =	sdelay $0x1  }
0x62: {  	(erf) = vpow2.f32 v9;
	_ =	sdelay $0x3  }
0x63: {  	v63 =	vimm.f32 $0.0e+00  }
0x64: {  	v5 =	vadd.f32 v5, v63  }
0x65: {  	s10 =	simm.s32 $0x4  }
0x66: {  	v6 =	vadd.f32 v6, v5;
	v5 =	vor.u32 s10, v1;
	_ =	sdelay $0x1  }
0x67: {  	v6 =	vadd.f32 v8, v6;
	vm15 =	vge.f32 v7, v3;
	v7 =	vpop (erf)  }
0x68: {  	s11 =	simm.s32 $0x8;
	v7 =	vnsel vm15, $0x0, v7  }
.LBB2_5:
0x69: {  	p0 =	sne.s32 s11, $0x3C;
	[tilespmem:v4+s7+$0x0] =	vst.idx.msk $0xffff, v7;
	v6 =	vadd.f32 v7, v6;
	s12 =	smov.u32 s11;
	s11 =	sadd.s32 $0x4, s11  }
0x6a: {  	v4 =	vld.idx.msk [tilespmem:v5+s2+$0x0], $0xffff;
	_ =	sdelay $0x5  }
0x6b: {  	v7 =	vsub.f32 v4, v2;
	_ =	sdelay $0x1  }
0x6c: {  	v7 =	vmul.f32 $1.442695020e+00, v7;
	_ =	sdelay $0x1  }
0x6d: {  	(erf) = vpow2.f32 v7;
	_ =	sdelay $0x5  }
0x6e: {  	s13 =	sadd.s32 $0x1, s10  }
0x6f: {  	v7 =	vor.u32 s13, v1;
	_ =	sdelay $0x1  }
0x70: {  	vm0 =	vge.f32 v4, v3;
	v4 =	vpop (erf)  }
0x71: {  	v8 =	vnsel vm0, $0x0, v4  }
0x72: {  	[tilespmem:v5+s7+$0x0] =	vst.idx.msk $0xffff, v8  }
0x73: {  	v4 =	vld.idx.msk [tilespmem:v7+s2+$0x0], $0xffff;
	_ =	sdelay $0x5  }
0x74: {  	v5 =	vsub.f32 v4, v2;
	_ =	sdelay $0x1  }
0x75: {  	v5 =	vmul.f32 $1.442695020e+00, v5;
	_ =	sdelay $0x1  }
0x76: {  	(erf) = vpow2.f32 v5;
	_ =	sdelay $0x5  }
0x77: {  	s13 =	sadd.s32 $0x2, s10  }
0x78: {  	v5 =	vor.u32 s13, v1;
	_ =	sdelay $0x1  }
0x79: {  	vm0 =	vge.f32 v4, v3;
	v4 =	vpop (erf)  }
0x7a: {  	v9 =	vnsel vm0, $0x0, v4  }
0x7b: {  	[tilespmem:v7+s7+$0x0] =	vst.idx.msk $0xffff, v9  }
0x7c: {  	v7 =	vld.idx.msk [tilespmem:v5+s2+$0x0], $0xffff;
	_ =	sdelay $0x5  }
0x7d: {  	v4 =	vsub.f32 v7, v2;
	_ =	sdelay $0x1  }
0x7e: {  	v4 =	vmul.f32 $1.442695020e+00, v4;
	_ =	sdelay $0x1  }
0x7f: {  	(erf) = vpow2.f32 v4;
	_ =	sdelay $0x5  }
0x80: {  	s13 =	sadd.s32 $0x3, s10;
	s10 =	smov.u32 s12  }
0x81: {  	v4 =	vor.u32 s13, v1;
	_ =	sdelay $0x1  }
0x82: {  	vm0 =	vge.f32 v7, v3;
	v7 =	vpop (erf)  }
0x83: {  	v7 =	vnsel vm0, $0x0, v7  }
0x84: {  	[tilespmem:v5+s7+$0x0] =	vst.idx.msk $0xffff, v7  }
0x85: {  	v10 =	vld.idx.msk [tilespmem:v4+s2+$0x0], $0xffff;
	_ =	sdelay $0x5  }
0x86: {  	v5 =	vsub.f32 v10, v2;
	_ =	sdelay $0x1  }
0x87: {  	v5 =	vmul.f32 $1.442695020e+00, v5;
	_ =	sdelay $0x1  }
0x88: {  	(erf) = vpow2.f32 v5;
	_ =	sdelay $0x4  }
0x89: {  	v6 =	vadd.f32 v8, v6  }
.Ltmp1:
0x8a: {  	(pc) =	sbr.rel @p0 .LBB2_5-.Ltmp1, $3  }
0x8b: {  	v6 =	vadd.f32 v9, v6;
	v5 =	vor.u32 s10, v1;
	_ =	sdelay $0x1  }
0x8c: {  	v6 =	vadd.f32 v7, v6;
	vm0 =	vge.f32 v10, v3;
	v7 =	vpop (erf)  }
0x8d: {  	v7 =	vnsel vm0, $0x0, v7  }
0x8e: {  	_ =	sdelay $0x3  }
0x8f: {  	[tilespmem:v4+s7+$0x0] =	vst.idx.msk $0xffff, v7  }
0x90: {  	v4 =	vld.idx.msk [tilespmem:v5+s2+$0x0], $0xffff;
	_ =	sdelay $0x4  }
0x91: {  	v8 =	vsub.f32 v4, v2;
	_ =	sdelay $0x1  }
0x92: {  	v8 =	vmul.f32 $1.442695020e+00, v8;
	_ =	sdelay $0x1  }
0x93: {  	(erf) = vpow2.f32 v8;
	_ =	sdelay $0x5  }
0x94: {  	s11 =	sadd.s32 $0x1, s10  }
0x95: {  	v60 =	vor.u32 s11, v1;
	_ =	sdelay $0x1  }
0x96: {  	vm0 =	vge.f32 v4, v3;
	v4 =	vpop (erf)  }
0x97: {  	v4 =	vnsel vm0, $0x0, v4  }
0x98: {  	[tilespmem:v5+s7+$0x0] =	vst.idx.msk $0xffff, v4  }
0x99: {  	v5 =	vld.idx.msk [tilespmem:v60+s2+$0x0], $0xffff;
	_ =	sdelay $0x4  }
0x9a: {  	v9 =	vsub.f32 v5, v2;
	_ =	sdelay $0x1  }
0x9b: {  	v9 =	vmul.f32 $1.442695020e+00, v9;
	_ =	sdelay $0x1  }
0x9c: {  	(erf) = vpow2.f32 v9;
	_ =	sdelay $0x5  }
0x9d: {  	s25 =	sadd.s32 $0x2, s10  }
0x9e: {  	v61 =	vor.u32 s25, v1;
	_ =	sdelay $0x1  }
0x9f: {  	vm13 =	vge.f32 v5, v3;
	v5 =	vpop (erf)  }
0xa0: {  	v5 =	vnsel vm13, $0x0, v5  }
0xa1: {  	[tilespmem:v60+s7+$0x0] =	vst.idx.msk $0xffff, v5  }
0xa2: {  	v8 =	vld.idx.msk [tilespmem:v61+s2+$0x0], $0xffff;
	_ =	sdelay $0x4  }
0xa3: {  	v10 =	vsub.f32 v8, v2;
	_ =	sdelay $0x1  }
0xa4: {  	v10 =	vmul.f32 $1.442695020e+00, v10;
	_ =	sdelay $0x1  }
0xa5: {  	(erf) = vpow2.f32 v10;
	_ =	sdelay $0x5  }
0xa6: {  	s26 =	sadd.s32 $0x3, s10  }
0xa7: {  	v62 =	vor.u32 s26, v1;
	_ =	sdelay $0x1  }
0xa8: {  	vm14 =	vge.f32 v8, v3;
	v63 =	vpop (erf)  }
0xa9: {  	v8 =	vnsel vm14, $0x0, v63  }
0xaa: {  	[tilespmem:v61+s7+$0x0] =	vst.idx.msk $0xffff, v8  }
0xab: {  	v9 =	vld.idx.msk [tilespmem:v62+s2+$0x0], $0xffff;
	_ =	sdelay $0x4  }
0xac: {  	v2 =	vsub.f32 v9, v2;
	_ =	sdelay $0x1  }
0xad: {  	v2 =	vmul.f32 $1.442695020e+00, v2;
	_ =	sdelay $0x1  }
0xae: {  	(erf) = vpow2.f32 v2;
	_ =	sdelay $0x2  }
0xaf: {  	v2 =	vadd.f32 v7, v6;
	_ =	sdelay $0x1  }
0xb0: {  	v2 =	vadd.f32 v4, v2;
	_ =	sdelay $0x1  }
0xb1: {  	v2 =	vadd.f32 v5, v2;
	_ =	sdelay $0x1  }
0xb2: {  	vm15 =	vge.f32 v9, v3;
	v2 =	vadd.f32 v8, v2;
	v3 =	vpop (erf)  }
0xb3: {  	v3 =	vnsel vm15, $0x0, v3  }
0xb4: {  	v2 =	vadd.f32 v3, v2  }
0xb5: {  	s28 =	simm.s32 $0x0  }
0xb6: {  	v4 =	vor.u32 s28, v1;
	(erf) = vrcp.f32 v2;
	_ =	sdelay $0x3  }
0xb7: {  	[tilespmem:v62+s7+$0x0] =	vst.idx.msk $0xffff, v3  }
0xb8: {  	v3 =	vld.idx.msk [tilespmem:v4+s7+$0x0], $0xffff;
	_ =	sdelay $0x1  }
0xb9: {  	s29 =	simm.s32 $0x1  }
0xba: {  	v5 =	vor.u32 s29, v1  }
0xbb: {  	v2 =	vpop (erf)  }
0xbc: {  	v3 =	vmul.f32 v3, v2;
	_ =	sdelay $0x1  }
0xbd: {  	[tilespmem:v4+s7+$0x0] =	vst.idx.msk $0xffff, v3  }
0xbe: {  	v3 =	vld.idx.msk [tilespmem:v5+s7+$0x0], $0xffff;
	_ =	sdelay $0x1  }
0xbf: {  	s30 =	simm.s32 $0x2  }
0xc0: {  	v6 =	vor.u32 s30, v1;
	_ =	sdelay $0x1  }
0xc1: {  	v3 =	vmul.f32 v3, v2;
	_ =	sdelay $0x1  }
0xc2: {  	[tilespmem:v5+s7+$0x0] =	vst.idx.msk $0xffff, v3  }
0xc3: {  	v3 =	vld.idx.msk [tilespmem:v6+s7+$0x0], $0xffff;
	_ =	sdelay $0x1  }
0xc4: {  	s31 =	simm.s32 $0x3  }
0xc5: {  	v4 =	vor.u32 s31, v1;
	_ =	sdelay $0x1  }
0xc6: {  	v3 =	vmul.f32 v3, v2;
	_ =	sdelay $0x1  }
0xc7: {  	[tilespmem:v6+s7+$0x0] =	vst.idx.msk $0xffff, v3  }
0xc8: {  	v5 =	vld.idx.msk [tilespmem:v4+s7+$0x0], $0xffff;
	_ =	sdelay $0x1  }
0xc9: {  	s10 =	simm.s32 $0x4  }
0xca: {  	v3 =	vor.u32 s10, v1;
	_ =	sdelay $0x1  }
0xcb: {  	s11 =	simm.s32 $0x8;
	v5 =	vmul.f32 v5, v2  }
.LBB2_7:
0xcc: {  	_ = 	snop  }
0xcd: {  	p0 =	sne.s32 s11, $0x3C;
	s12 =	smov.u32 s11;
	s11 =	sadd.s32 $0x4, s11;
	[tilespmem:v4+s7+$0x0] =	vst.idx.msk $0xffff, v5  }
0xce: {  	v4 =	vld.idx.msk [tilespmem:v3+s7+$0x0], $0xffff;
	_ =	sdelay $0x2  }
0xcf: {  	s13 =	sadd.s32 $0x1, s10  }
0xd0: {  	v5 =	vor.u32 s13, v1;
	_ =	sdelay $0x1  }
0xd1: {  	v4 =	vmul.f32 v4, v2;
	_ =	sdelay $0x1  }
0xd2: {  	[tilespmem:v3+s7+$0x0] =	vst.idx.msk $0xffff, v4  }
0xd3: {  	v3 =	vld.idx.msk [tilespmem:v5+s7+$0x0], $0xffff;
	_ =	sdelay $0x2  }
0xd4: {  	s13 =	sadd.s32 $0x2, s10  }
0xd5: {  	v6 =	vor.u32 s13, v1;
	_ =	sdelay $0x1  }
0xd6: {  	v3 =	vmul.f32 v3, v2;
	_ =	sdelay $0x1  }
0xd7: {  	[tilespmem:v5+s7+$0x0] =	vst.idx.msk $0xffff, v3  }
0xd8: {  	v3 =	vld.idx.msk [tilespmem:v6+s7+$0x0], $0xffff;
	_ =	sdelay $0x2  }
0xd9: {  	s13 =	sadd.s32 $0x3, s10;
	s10 =	smov.u32 s12  }
0xda: {  	v4 =	vor.u32 s13, v1;
	_ =	sdelay $0x1  }
0xdb: {  	v3 =	vmul.f32 v3, v2;
	_ =	sdelay $0x1  }
0xdc: {  	[tilespmem:v6+s7+$0x0] =	vst.idx.msk $0xffff, v3  }
0xdd: {  	v5 =	vld.idx.msk [tilespmem:v4+s7+$0x0], $0xffff;
	_ =	sdelay $0x1  }
.Ltmp2:
0xde: {  	(pc) =	sbr.rel @p0 .LBB2_7-.Ltmp2, $3  }
0xdf: {  	_ = 	snop  }
0xe0: {  	v3 =	vor.u32 s10, v1;
	_ =	sdelay $0x1  }
0xe1: {  	v5 =	vmul.f32 v5, v2  }
0xe2: {  	_ =	sdelay $0x3  }
0xe3: {  	[tilespmem:v4+s7+$0x0] =	vst.idx.msk $0xffff, v5  }
0xe4: {  	v4 =	vld.idx.msk [tilespmem:v3+s7+$0x0], $0xffff;
	_ =	sdelay $0x1  }
0xe5: {  	s11 =	sadd.s32 $0x1, s10  }
0xe6: {  	v62 =	vor.u32 s11, v1;
	_ =	sdelay $0x1  }
0xe7: {  	v4 =	vmul.f32 v4, v2;
	_ =	sdelay $0x1  }
0xe8: {  	[tilespmem:v3+s7+$0x0] =	vst.idx.msk $0xffff, v4  }
0xe9: {  	v3 =	vld.idx.msk [tilespmem:v62+s7+$0x0], $0xffff;
	_ =	sdelay $0x1  }
0xea: {  	s30 =	sadd.s32 $0x2, s10  }
0xeb: {  	v63 =	vor.u32 s30, v1;
	_ =	sdelay $0x1  }
0xec: {  	v3 =	vmul.f32 v3, v2;
	_ =	sdelay $0x1  }
0xed: {  	[tilespmem:v62+s7+$0x0] =	vst.idx.msk $0xffff, v3  }
0xee: {  	v3 =	vld.idx.msk [tilespmem:v63+s7+$0x0], $0xffff;
	_ =	sdelay $0x1  }
0xef: {  	s31 =	sadd.s32 $0x3, s10  }
0xf0: {  	v1 =	vor.u32 s31, v1;
	_ =	sdelay $0x1  }
0xf1: {  	v3 =	vmul.f32 v3, v2;
	_ =	sdelay $0x1  }
0xf2: {  	[tilespmem:v63+s7+$0x0] =	vst.idx.msk $0xffff, v3  }
0xf3: {  	v3 =	vld.idx.msk [tilespmem:v1+s7+$0x0], $0xffff  }
0xf4: {  	s9 =	sadd.s32 $0x1, s9  }
0xf5: {  	p0 =	sne.s32 s9, $0x20  }
.Ltmp3:
0xf6: {  	_ = 	snop;
	(pc) =	sbr.rel @p0 .LBB2_2-.Ltmp3, $3  }
0xf7: {  	_ = 	snop  }
0xf8: {  	v2 =	vmul.f32 v3, v2;
	_ =	sdelay $0x1  }
0xf9: {  	[tilespmem:v1+s7+$0x0] =	vst.idx.msk $0xffff, v2  }
0xfa: {  	s8 =	sadd.s32 $0x1, s8  }
0xfb: {  	p0 =	sne.s32 s8, s5  }
.Ltmp4:
0xfc: {  	_ = 	snop;
	(pc) =	sbr.rel @p0 .LBB2_1-.Ltmp4, $4  }
0xfd: {  	[hbm4b:s4+s2] =	stream.linear.scatter [tilespmem:s7], [sflag:$0x1], $0x8000, $0x38;
	[tilespmem:$0x10000] =	vst v63  }
0xfe: {  	_ =	swait.ge [sflag:s6], $0x8000  }
0xff: {  	[sflag:s6] =	ssyncset.done $0x0  }
0x100: {  	[sflag:s6] =	ssyncadd.s32 $0xFFFF8000  }
0x101: {  	_ =	sfence.sel $0x180000  }
0x102: {  	[bflag:$0x0] =	sbarrier.arrive $0xFFFF  }
0x103: {  	p0 =	sne.s32 s1, $0x0;
	_ =	strace $0x90000047  }
0x104: {  	s0 =	sadd.s32 @!p0 $0x100000, s0;
	[bflag:$0x2] =	sbarrier.arrive $0xFFFF  }
0x105: {  	[sflag:s0] =	ssyncadd.tile.s32 @!p0 $0x1;
	_ =	shalt  }
.Lfunc_end2:
_tile_overlayer_lowered:
.L_overlay_start_2:
0x106: {  	(tag) =	ssettag $0x2  }
0x107: {  	s0 =	rddreg [dreg:$0x0];
	s2 =	stileid.u32  }
0x108: {  	s1 =	rddreg [dreg:$0x1];
	p0 =	sne.s32 s2, $0x0  }
0x109: {  	s3 =	rddreg [dreg:$0x2];
	[bflag:$0x3] =	sbarrier.arrive $0xFFFF;
	s2 =	simm.s32 @!p0 $0x1C01  }
0x10a: {  	[timem:s3], [sflag:s2] =	dma.local @!p0 [hbm:s0], s1  }
0x10b: {  	s0 =	simm.s32 @!p0 $0x1  }
0x10c: {  	_ =	swait.ge @!p0 [sflag:s0], s1  }
0x10d: {  	s1 =	ssub.s32 @!p0 $0x0, s1;
	[sflag:s0] =	ssyncset.done @!p0 $0x0  }
0x10e: {  	[sflag:s0] =	ssyncadd.s32 @!p0 s1  }
0x10f: {  	[bflag:$0x3] =	sbarrier.arrive $0xFFFF  }
0x110: {  	_ =	shalt  }

</sc_bundles>
